<compile_context>
chip_gen: v7x
topology: tpu7x:2x2x1
jax: 0.10.2.dev20260603
libtpu: 0.0.44.dev20260713+nightly
codegen_flags: <defaults>
</compile_context>

<pallas_src>
import functools

import jax
import jax.numpy as jnp
from jax import lax
from jax.experimental import pallas as pl
from jax.experimental.pallas import tpu as pltpu
from jax.experimental.pallas import tpu_sc as plsc

_NF = 26
_DEPTH = 1000
_W = _NF * _DEPTH
_BATCH = 4096
_NW = 32
_RPW = _BATCH // _NW
_NP = _RPW // 2


@functools.partial(
    pl.kernel,
    out_type=jax.ShapeDtypeStruct((_BATCH, _W), jnp.float32),
    mesh=plsc.VectorSubcoreMesh(core_axis_name="c", subcore_axis_name="s"),
    scratch_types=[
        pltpu.VMEM((_RPW, 32), jnp.int32),
        pltpu.VMEM((2, 2, _W), jnp.float32),
        pltpu.SemaphoreType.DMA((2,)),
    ],
    compiler_params=pltpu.CompilerParams(needs_layout_passes=False),
)
def _sc_onehot(fv_hbm, out_hbm, fv_v, row_v, sems):
    wid = lax.axis_index("s") * 2 + lax.axis_index("c")
    base = wid * _RPW
    pltpu.sync_copy(fv_hbm.at[pl.ds(base, _RPW)], fv_v)

    zeros16 = jnp.zeros((16,), jnp.float32)
    ones16 = jnp.ones((16,), jnp.float32)
    r0vec = jnp.zeros((16,), jnp.int32)
    r1vec = jnp.ones((16,), jnp.int32)

    def zbody(i, carry):
        row_v[0, 0, pl.ds(i * 16, 16)] = zeros16
        row_v[0, 1, pl.ds(i * 16, 16)] = zeros16
        row_v[1, 0, pl.ds(i * 16, 16)] = zeros16
        row_v[1, 1, pl.ds(i * 16, 16)] = zeros16
        return carry

    lax.fori_loop(0, _W // 16, zbody, 0)

    iota = lax.iota(jnp.int32, 16)
    off0 = iota * _DEPTH
    off1 = (iota + 16) * _DEPTH
    mask1 = iota < (_NF - 16)

    def pair_pos(k):
        p00 = fv_v[2 * k, pl.ds(0, 16)] + off0
        p01 = fv_v[2 * k, pl.ds(16, 16)] + off1
        p10 = fv_v[2 * k + 1, pl.ds(0, 16)] + off0
        p11 = fv_v[2 * k + 1, pl.ds(16, 16)] + off1
        return p00, p01, p10, p11

    def scatter_pair(slot, k, val):
        p00, p01, p10, p11 = pair_pos(k)
        buf = row_v.at[slot]
        plsc.store_scatter(buf, [r0vec, p00], val)
        plsc.store_scatter(buf, [r0vec, p01], val, mask=mask1)
        plsc.store_scatter(buf, [r1vec, p10], val)
        plsc.store_scatter(buf, [r1vec, p11], val, mask=mask1)

    def copy_desc(slot, k):
        return pltpu.make_async_copy(
            row_v.at[slot], out_hbm.at[pl.ds(base + 2 * k, 2)],
            sems.at[slot])

    def kbody(k, carry):
        slot = lax.rem(k, 2)

        @pl.when(k >= 2)
        def _retire():
            copy_desc(slot, k - 2).wait()
            scatter_pair(slot, k - 2, zeros16)

        scatter_pair(slot, k, ones16)
        copy_desc(slot, k).start()
        return carry

    lax.fori_loop(0, _NP, kbody, 0)
    for t in (0, 1):
        kk = _NP - 2 + t
        copy_desc(kk & 1, kk).wait()


def kernel(feature_value):
    fv_pad = jnp.pad(feature_value, ((0, 0), (0, 32 - _NF)))
    return _sc_onehot(fv_pad)

# --- scband reference (transcript-rebuilt; emitter-appended) ---
"""Pipeline reference for scband-one-hot-layer-1228360647194 (READ-ONLY COPY).

The authoritative reference and input builder live on the scoring server;
editing this copy changes nothing except your own understanding.
"""

import jax, jax.numpy as jnp
import numpy as np

# feature_cates_num is a structural constant in the original keras model (list of per-field
# cardinalities passed inside the inputs dict but used as static one_hot depths).
FEATURE_CATES_NUM = [1000] * 26
BATCH = 4096


def setup_inputs(seed: int = 0) -> dict:
    key = jax.random.key(seed)
    feature_value = jax.random.randint(key, (BATCH, len(FEATURE_CATES_NUM)), 0, 1000, dtype=jnp.int32)
    return {"feature_value": feature_value}


def reference(feature_value):
    # Faithful translation of OneHotLayer.call:
    #   for each sparse field i, one-hot encode feature_value[:, i] with depth feature_cates_num[i],
    #   then concat along axis=1.
    outputs = []
    for i in range(len(FEATURE_CATES_NUM)):
        outputs.append(jax.nn.one_hot(feature_value[:, i], FEATURE_CATES_NUM[i], dtype=jnp.float32))
    return jnp.concatenate(outputs, axis=1)

if __name__ == "__main__":
    import jax
    _d = setup_inputs()
    print(jax.jit(kernel)(*tuple(_d.values())))

</pallas_src>

<mosaic_0001>
#map = affine_map<(d0, d1) -> (0, 0)>
module attributes {stable_mosaic.version = 14 : i64} {
  func.func @_sc_onehot(%arg0: i32, %arg1: i32, %arg2: memref<4096x32xi32, #tpu.memory_space<hbm>>, %arg3: memref<4096x26000xf32, #tpu.memory_space<hbm>>, %arg4: memref<128x32xi32, #tpu.memory_space<vmem>>, %arg5: memref<2x2x26000xf32, #tpu.memory_space<vmem>>, %arg6: memref<2x!tpu.dma_semaphore, #tpu.memory_space<semaphore_mem>>) attributes {dimension_semantics = [#tpu.dimension_semantics<core_parallel>, #tpu.dimension_semantics<subcore_parallel>], iteration_bounds = array<i64: 2, 16>, scalar_prefetch = 0 : i64, scratch_operands = 3 : i64, tpu.core_type = #tpu.core_type<sc_vector_subcore>, window_params = [{transform_indices = #map}, {transform_indices = #map}]} {
    %mul3A = arith.constant 2 : i32
    %mul3A_0 = arith.muli %arg1, %mul3A : i32
    %add3A = arith.addi %mul3A_0, %arg0 : i32
    %mul3A_1 = arith.constant 128 : i32
    %mul3A_2 = arith.muli %add3A, %mul3A_1 : i32
    "tpu.region"() ({
      %run_scoped3A = tpu.sem_alloc : memref<!tpu.dma_semaphore, #tpu.memory_space<semaphore_mem>>
      %dma_start3A = arith.constant 0 : i32
      %dma_start3A_67 = tpu.memref_slice %arg2[%mul3A_2, %dma_start3A] : memref<4096x32xi32, #tpu.memory_space<hbm>> -> memref<128x32xi32, #tpu.memory_space<hbm>>
      %dma_start3A_68 = arith.constant 0 : i32
      %dma_start3A_69 = tpu.memref_slice %arg2[%mul3A_2, %dma_start3A_68] : memref<4096x32xi32, #tpu.memory_space<hbm>> -> memref<128x32xi32, #tpu.memory_space<hbm>>
      tpu.enqueue_dma source(%dma_start3A_69 : memref<128x32xi32, #tpu.memory_space<hbm>>) target(%arg4 : memref<128x32xi32, #tpu.memory_space<vmem>>) target_semaphore(%run_scoped3A : memref<!tpu.dma_semaphore, #tpu.memory_space<semaphore_mem>>)
      %dma_wait3A_70 = arith.constant 0 : i32
      %dma_wait3A_71 = tpu.memref_slice %arg2[%mul3A_2, %dma_wait3A_70] : memref<4096x32xi32, #tpu.memory_space<hbm>> -> memref<128x32xi32, #tpu.memory_space<hbm>>
      %dma_wait3A_72 = arith.constant 0 : i32
      %dma_wait3A_73 = tpu.memref_slice %arg2[%mul3A_2, %dma_wait3A_72] : memref<4096x32xi32, #tpu.memory_space<hbm>> -> memref<128x32xi32, #tpu.memory_space<hbm>>
      tpu.wait_dma2 semaphore(%run_scoped3A : memref<!tpu.dma_semaphore, #tpu.memory_space<semaphore_mem>>) src(%dma_wait3A_73 : memref<128x32xi32, #tpu.memory_space<hbm>>) dst(%arg4 : memref<128x32xi32, #tpu.memory_space<vmem>>)
      tpu.yield
    }) : () -> ()
    %broadcast_in_dim3A = arith.constant 0.000000e+00 : f32
    %broadcast_in_dim3A_3 = vector.broadcast %broadcast_in_dim3A : f32 to vector<16xf32>
    %broadcast_in_dim3A_4 = arith.constant 1.000000e+00 : f32
    %broadcast_in_dim3A_5 = vector.broadcast %broadcast_in_dim3A_4 : f32 to vector<16xf32>
    %broadcast_in_dim3A_6 = arith.constant 0 : i32
    %broadcast_in_dim3A_7 = vector.broadcast %broadcast_in_dim3A_6 : i32 to vector<16xi32>
    %broadcast_in_dim3A_8 = arith.constant 1 : i32
    %broadcast_in_dim3A_9 = vector.broadcast %broadcast_in_dim3A_8 : i32 to vector<16xi32>
    %scan3A = arith.constant 0 : i32
    %scan3A_10 = arith.constant 0 : i32
    %scan3A_11 = arith.constant 1625 : i32
    %scan3A_12 = arith.addi %scan3A_10, %scan3A_11 : i32
    %scan3A_13 = arith.constant 1 : i32
    scf.for %scan3A_67 = %scan3A_10 to %scan3A_12 step %scan3A_13  : i32 {
      %mul3A_68 = arith.constant 16 : i32
      %mul3A_69 = arith.muli %scan3A_67, %mul3A_68 : i32
      %swap3A = arith.constant 0 : i32
      %swap3A_70 = arith.constant 0 : i32
      %swap3A_71 = arith.index_cast %swap3A : i32 to index
      %swap3A_72 = arith.index_cast %swap3A_70 : i32 to index
      %swap3A_73 = arith.index_cast %mul3A_69 : i32 to index
      %swap3A_74 = tpu.vector_load %arg5[%swap3A_71, %swap3A_72, %swap3A_73] {strides = array<i32>} : memref<2x2x26000xf32, #tpu.memory_space<vmem>>, vector<16xf32>,
      tpu.vector_store %arg5[%swap3A_71, %swap3A_72, %swap3A_73], %broadcast_in_dim3A_3 {strides = array<i32>} : memref<2x2x26000xf32, #tpu.memory_space<vmem>>, vector<16xf32>,
      %mul3A_75 = arith.constant 16 : i32
      %mul3A_76 = arith.muli %scan3A_67, %mul3A_75 : i32
      %swap3A_77 = arith.constant 0 : i32
      %swap3A_78 = arith.constant 1 : i32
      %swap3A_79 = arith.index_cast %swap3A_77 : i32 to index
      %swap3A_80 = arith.index_cast %swap3A_78 : i32 to index
      %swap3A_81 = arith.index_cast %mul3A_76 : i32 to index
      %swap3A_82 = tpu.vector_load %arg5[%swap3A_79, %swap3A_80, %swap3A_81] {strides = array<i32>} : memref<2x2x26000xf32, #tpu.memory_space<vmem>>, vector<16xf32>,
      tpu.vector_store %arg5[%swap3A_79, %swap3A_80, %swap3A_81], %broadcast_in_dim3A_3 {strides = array<i32>} : memref<2x2x26000xf32, #tpu.memory_space<vmem>>, vector<16xf32>,
      %mul3A_83 = arith.constant 16 : i32
      %mul3A_84 = arith.muli %scan3A_67, %mul3A_83 : i32
      %swap3A_85 = arith.constant 1 : i32
      %swap3A_86 = arith.constant 0 : i32
      %swap3A_87 = arith.index_cast %swap3A_85 : i32 to index
      %swap3A_88 = arith.index_cast %swap3A_86 : i32 to index
      %swap3A_89 = arith.index_cast %mul3A_84 : i32 to index
      %swap3A_90 = tpu.vector_load %arg5[%swap3A_87, %swap3A_88, %swap3A_89] {strides = array<i32>} : memref<2x2x26000xf32, #tpu.memory_space<vmem>>, vector<16xf32>,
      tpu.vector_store %arg5[%swap3A_87, %swap3A_88, %swap3A_89], %broadcast_in_dim3A_3 {strides = array<i32>} : memref<2x2x26000xf32, #tpu.memory_space<vmem>>, vector<16xf32>,
      %mul3A_91 = arith.constant 16 : i32
      %mul3A_92 = arith.muli %scan3A_67, %mul3A_91 : i32
      %swap3A_93 = arith.constant 1 : i32
      %swap3A_94 = arith.constant 1 : i32
      %swap3A_95 = arith.index_cast %swap3A_93 : i32 to index
      %swap3A_96 = arith.index_cast %swap3A_94 : i32 to index
      %swap3A_97 = arith.index_cast %mul3A_92 : i32 to index
      %swap3A_98 = tpu.vector_load %arg5[%swap3A_95, %swap3A_96, %swap3A_97] {strides = array<i32>} : memref<2x2x26000xf32, #tpu.memory_space<vmem>>, vector<16xf32>,
      tpu.vector_store %arg5[%swap3A_95, %swap3A_96, %swap3A_97], %broadcast_in_dim3A_3 {strides = array<i32>} : memref<2x2x26000xf32, #tpu.memory_space<vmem>>, vector<16xf32>,
    }
    %scan3A_14 = arith.constant 1625 : i32
    %iota3A = tpu.iota {dimensions = array<i32: 0>} : vector<16xi32>
    %mul3A_15 = arith.constant 1000 : i32
    %mul3A_16 = vector.broadcast %mul3A_15 : i32 to vector<16xi32>
    %mul3A_17 = arith.muli %iota3A, %mul3A_16 : vector<16xi32>
    %add3A_18 = arith.constant 16 : i32
    %add3A_19 = vector.broadcast %add3A_18 : i32 to vector<16xi32>
    %add3A_20 = arith.addi %iota3A, %add3A_19 : vector<16xi32>
    %mul3A_21 = arith.constant 1000 : i32
    %mul3A_22 = vector.broadcast %mul3A_21 : i32 to vector<16xi32>
    %mul3A_23 = arith.muli %add3A_20, %mul3A_22 : vector<16xi32>
    %lt3A = arith.constant 10 : i32
    %lt3A_24 = vector.broadcast %lt3A : i32 to vector<16xi32>
    %lt3A_25 = arith.cmpi slt, %iota3A, %lt3A_24 : vector<16xi32>
    %scan3A_26 = arith.constant 0 : i32
    %scan3A_27 = arith.constant 0 : i32
    %scan3A_28 = arith.constant 64 : i32
    %scan3A_29 = arith.addi %scan3A_27, %scan3A_28 : i32
    %scan3A_30 = arith.constant 1 : i32
    scf.for %scan3A_67 = %scan3A_27 to %scan3A_29 step %scan3A_30  : i32 {
      %rem3A = arith.constant 2 : i32
      %rem3A_68 = arith.remsi %scan3A_67, %rem3A : i32
      %ge3A = arith.constant 2 : i32
      %ge3A_69 = arith.cmpi sge, %scan3A_67, %ge3A : i32
      %convert_element_type3A = arith.extui %ge3A_69 : i1 to i32
      %cond3A = arith.constant 0 : i32
      %cond3A_70 = arith.cmpi ne, %convert_element_type3A, %cond3A : i32
      scf.if %cond3A_70 {
        %sub3A = arith.constant 2 : i32
        %sub3A_129 = arith.subi %scan3A_67, %sub3A : i32
        %mul3A_130 = arith.constant 2 : i32
        %mul3A_131 = arith.muli %mul3A_130, %sub3A_129 : i32
        %add3A_132 = arith.addi %mul3A_2, %mul3A_131 : i32
        %dma_wait3A_133 = arith.constant 0 : i32
        %dma_wait3A_134 = arith.constant 0 : i32
        %dma_wait3A_135 = tpu.memref_slice %arg5[%rem3A_68, %dma_wait3A_133, %dma_wait3A_134] : memref<2x2x26000xf32, #tpu.memory_space<vmem>> -> memref<1x2x26000xf32, #tpu.memory_space<vmem>>
        %dma_wait3A_136 = tpu.memref_squeeze %dma_wait3A_135 : memref<1x2x26000xf32, #tpu.memory_space<vmem>> -> memref<2x26000xf32, #tpu.memory_space<vmem>>
        %dma_wait3A_137 = arith.constant 0 : i32
        %dma_wait3A_138 = tpu.memref_slice %arg3[%add3A_132, %dma_wait3A_137] : memref<4096x26000xf32, #tpu.memory_space<hbm>> -> memref<2x26000xf32, #tpu.memory_space<hbm>>
        %dma_wait3A_139 = tpu.memref_slice %arg6[%rem3A_68] : memref<2x!tpu.dma_semaphore, #tpu.memory_space<semaphore_mem>> -> memref<1x!tpu.dma_semaphore, #tpu.memory_space<semaphore_mem>>
        %dma_wait3A_140 = tpu.memref_squeeze %dma_wait3A_139 : memref<1x!tpu.dma_semaphore, #tpu.memory_space<semaphore_mem>> -> memref<!tpu.dma_semaphore, #tpu.memory_space<semaphore_mem>>
        %dma_wait3A_141 = arith.constant 0 : i32
        %dma_wait3A_142 = tpu.memref_slice %arg3[%add3A_132, %dma_wait3A_141] : memref<4096x26000xf32, #tpu.memory_space<hbm>> -> memref<2x26000xf32, #tpu.memory_space<hbm>>
        %dma_wait3A_143 = arith.constant 0 : i32
        %dma_wait3A_144 = arith.constant 0 : i32
        %dma_wait3A_145 = tpu.memref_slice %arg5[%rem3A_68, %dma_wait3A_143, %dma_wait3A_144] : memref<2x2x26000xf32, #tpu.memory_space<vmem>> -> memref<1x2x26000xf32, #tpu.memory_space<vmem>>
        %dma_wait3A_146 = tpu.memref_squeeze %dma_wait3A_145 : memref<1x2x26000xf32, #tpu.memory_space<vmem>> -> memref<2x26000xf32, #tpu.memory_space<vmem>>
        tpu.wait_dma2 semaphore(%dma_wait3A_140 : memref<!tpu.dma_semaphore, #tpu.memory_space<semaphore_mem>>) src(%dma_wait3A_146 : memref<2x26000xf32, #tpu.memory_space<vmem>>) dst(%dma_wait3A_142 : memref<2x26000xf32, #tpu.memory_space<hbm>>)
        %sub3A_147 = arith.constant 2 : i32
        %sub3A_148 = arith.subi %scan3A_67, %sub3A_147 : i32
        %mul3A_149 = arith.constant 2 : i32
        %mul3A_150 = arith.muli %mul3A_149, %sub3A_148 : i32
        %get3A_151 = arith.index_cast %mul3A_150 : i32 to index
        %get3A_152 = arith.constant 0 : index
        %get3A_153 = tpu.vector_load %arg4[%get3A_151, %get3A_152] {strides = array<i32>} : memref<128x32xi32, #tpu.memory_space<vmem>>, vector<16xi32>,
        %add3A_154 = arith.addi %get3A_153, %mul3A_17 : vector<16xi32>
        %mul3A_155 = arith.constant 2 : i32
        %mul3A_156 = arith.muli %mul3A_155, %sub3A_148 : i32
        %get3A_157 = arith.index_cast %mul3A_156 : i32 to index
        %get3A_158 = arith.constant 16 : index
        %get3A_159 = tpu.vector_load %arg4[%get3A_157, %get3A_158] {strides = array<i32>} : memref<128x32xi32, #tpu.memory_space<vmem>>, vector<16xi32>,
        %add3A_160 = arith.addi %get3A_159, %mul3A_23 : vector<16xi32>
        %mul3A_161 = arith.constant 2 : i32
        %mul3A_162 = arith.muli %mul3A_161, %sub3A_148 : i32
        %add3A_163 = arith.constant 1 : i32
        %add3A_164 = arith.addi %mul3A_162, %add3A_163 : i32
        %get3A_165 = arith.index_cast %add3A_164 : i32 to index
        %get3A_166 = arith.constant 0 : index
        %get3A_167 = tpu.vector_load %arg4[%get3A_165, %get3A_166] {strides = array<i32>} : memref<128x32xi32, #tpu.memory_space<vmem>>, vector<16xi32>,
        %add3A_168 = arith.addi %get3A_167, %mul3A_17 : vector<16xi32>
        %mul3A_169 = arith.constant 2 : i32
        %mul3A_170 = arith.muli %mul3A_169, %sub3A_148 : i32
        %add3A_171 = arith.constant 1 : i32
        %add3A_172 = arith.addi %mul3A_170, %add3A_171 : i32
        %get3A_173 = arith.index_cast %add3A_172 : i32 to index
        %get3A_174 = arith.constant 16 : index
        %get3A_175 = tpu.vector_load %arg4[%get3A_173, %get3A_174] {strides = array<i32>} : memref<128x32xi32, #tpu.memory_space<vmem>>, vector<16xi32>,
        %add3A_176 = arith.addi %get3A_175, %mul3A_23 : vector<16xi32>
        %scatter3A_177 = arith.constant 0 : i32
        %scatter3A_178 = arith.constant 0 : i32
        %scatter3A_179 = tpu.memref_slice %arg5[%rem3A_68, %scatter3A_177, %scatter3A_178] : memref<2x2x26000xf32, #tpu.memory_space<vmem>> -> memref<1x2x26000xf32, #tpu.memory_space<vmem>>
        %scatter3A_180 = tpu.memref_squeeze %scatter3A_179 : memref<1x2x26000xf32, #tpu.memory_space<vmem>> -> memref<2x26000xf32, #tpu.memory_space<vmem>>
        tpu.vector_store_idx %scatter3A_180[%broadcast_in_dim3A_7, %add3A_154], %broadcast_in_dim3A_3 : memref<2x26000xf32, #tpu.memory_space<vmem>>[vector<16xi32>, vector<16xi32>], vector<16xf32>,
        %scatter3A_181 = arith.constant 0 : i32
        %scatter3A_182 = arith.constant 0 : i32
        %scatter3A_183 = tpu.memref_slice %arg5[%rem3A_68, %scatter3A_181, %scatter3A_182] : memref<2x2x26000xf32, #tpu.memory_space<vmem>> -> memref<1x2x26000xf32, #tpu.memory_space<vmem>>
        %scatter3A_184 = tpu.memref_squeeze %scatter3A_183 : memref<1x2x26000xf32, #tpu.memory_space<vmem>> -> memref<2x26000xf32, #tpu.memory_space<vmem>>
        tpu.vector_store_idx %scatter3A_184[%broadcast_in_dim3A_7, %add3A_160], %broadcast_in_dim3A_3 masked %lt3A_25 : memref<2x26000xf32, #tpu.memory_space<vmem>>[vector<16xi32>, vector<16xi32>], vector<16xf32>, vector<16xi1>
        %scatter3A_185 = arith.constant 0 : i32
        %scatter3A_186 = arith.constant 0 : i32
        %scatter3A_187 = tpu.memref_slice %arg5[%rem3A_68, %scatter3A_185, %scatter3A_186] : memref<2x2x26000xf32, #tpu.memory_space<vmem>> -> memref<1x2x26000xf32, #tpu.memory_space<vmem>>
        %scatter3A_188 = tpu.memref_squeeze %scatter3A_187 : memref<1x2x26000xf32, #tpu.memory_space<vmem>> -> memref<2x26000xf32, #tpu.memory_space<vmem>>
        tpu.vector_store_idx %scatter3A_188[%broadcast_in_dim3A_9, %add3A_168], %broadcast_in_dim3A_3 : memref<2x26000xf32, #tpu.memory_space<vmem>>[vector<16xi32>, vector<16xi32>], vector<16xf32>,
        %scatter3A_189 = arith.constant 0 : i32
        %scatter3A_190 = arith.constant 0 : i32
        %scatter3A_191 = tpu.memref_slice %arg5[%rem3A_68, %scatter3A_189, %scatter3A_190] : memref<2x2x26000xf32, #tpu.memory_space<vmem>> -> memref<1x2x26000xf32, #tpu.memory_space<vmem>>
        %scatter3A_192 = tpu.memref_squeeze %scatter3A_191 : memref<1x2x26000xf32, #tpu.memory_space<vmem>> -> memref<2x26000xf32, #tpu.memory_space<vmem>>
        tpu.vector_store_idx %scatter3A_192[%broadcast_in_dim3A_9, %add3A_176], %broadcast_in_dim3A_3 masked %lt3A_25 : memref<2x26000xf32, #tpu.memory_space<vmem>>[vector<16xi32>, vector<16xi32>], vector<16xf32>, vector<16xi1>
      } else {
      }
      %mul3A_71 = arith.constant 2 : i32
      %mul3A_72 = arith.muli %mul3A_71, %scan3A_67 : i32
      %get3A = arith.index_cast %mul3A_72 : i32 to index
      %get3A_73 = arith.constant 0 : index
      %get3A_74 = tpu.vector_load %arg4[%get3A, %get3A_73] {strides = array<i32>} : memref<128x32xi32, #tpu.memory_space<vmem>>, vector<16xi32>,
      %add3A_75 = arith.addi %get3A_74, %mul3A_17 : vector<16xi32>
      %mul3A_76 = arith.constant 2 : i32
      %mul3A_77 = arith.muli %mul3A_76, %scan3A_67 : i32
      %get3A_78 = arith.index_cast %mul3A_77 : i32 to index
      %get3A_79 = arith.constant 16 : index
      %get3A_80 = tpu.vector_load %arg4[%get3A_78, %get3A_79] {strides = array<i32>} : memref<128x32xi32, #tpu.memory_space<vmem>>, vector<16xi32>,
      %add3A_81 = arith.addi %get3A_80, %mul3A_23 : vector<16xi32>
      %mul3A_82 = arith.constant 2 : i32
      %mul3A_83 = arith.muli %mul3A_82, %scan3A_67 : i32
      %add3A_84 = arith.constant 1 : i32
      %add3A_85 = arith.addi %mul3A_83, %add3A_84 : i32
      %get3A_86 = arith.index_cast %add3A_85 : i32 to index
      %get3A_87 = arith.constant 0 : index
      %get3A_88 = tpu.vector_load %arg4[%get3A_86, %get3A_87] {strides = array<i32>} : memref<128x32xi32, #tpu.memory_space<vmem>>, vector<16xi32>,
      %add3A_89 = arith.addi %get3A_88, %mul3A_17 : vector<16xi32>
      %mul3A_90 = arith.constant 2 : i32
      %mul3A_91 = arith.muli %mul3A_90, %scan3A_67 : i32
      %add3A_92 = arith.constant 1 : i32
      %add3A_93 = arith.addi %mul3A_91, %add3A_92 : i32
      %get3A_94 = arith.index_cast %add3A_93 : i32 to index
      %get3A_95 = arith.constant 16 : index
      %get3A_96 = tpu.vector_load %arg4[%get3A_94, %get3A_95] {strides = array<i32>} : memref<128x32xi32, #tpu.memory_space<vmem>>, vector<16xi32>,
      %add3A_97 = arith.addi %get3A_96, %mul3A_23 : vector<16xi32>
      %scatter3A = arith.constant 0 : i32
      %scatter3A_98 = arith.constant 0 : i32
      %scatter3A_99 = tpu.memref_slice %arg5[%rem3A_68, %scatter3A, %scatter3A_98] : memref<2x2x26000xf32, #tpu.memory_space<vmem>> -> memref<1x2x26000xf32, #tpu.memory_space<vmem>>
      %scatter3A_100 = tpu.memref_squeeze %scatter3A_99 : memref<1x2x26000xf32, #tpu.memory_space<vmem>> -> memref<2x26000xf32, #tpu.memory_space<vmem>>
      tpu.vector_store_idx %scatter3A_100[%broadcast_in_dim3A_7, %add3A_75], %broadcast_in_dim3A_5 : memref<2x26000xf32, #tpu.memory_space<vmem>>[vector<16xi32>, vector<16xi32>], vector<16xf32>,
      %scatter3A_101 = arith.constant 0 : i32
      %scatter3A_102 = arith.constant 0 : i32
      %scatter3A_103 = tpu.memref_slice %arg5[%rem3A_68, %scatter3A_101, %scatter3A_102] : memref<2x2x26000xf32, #tpu.memory_space<vmem>> -> memref<1x2x26000xf32, #tpu.memory_space<vmem>>
      %scatter3A_104 = tpu.memref_squeeze %scatter3A_103 : memref<1x2x26000xf32, #tpu.memory_space<vmem>> -> memref<2x26000xf32, #tpu.memory_space<vmem>>
      tpu.vector_store_idx %scatter3A_104[%broadcast_in_dim3A_7, %add3A_81], %broadcast_in_dim3A_5 masked %lt3A_25 : memref<2x26000xf32, #tpu.memory_space<vmem>>[vector<16xi32>, vector<16xi32>], vector<16xf32>, vector<16xi1>
      %scatter3A_105 = arith.constant 0 : i32
      %scatter3A_106 = arith.constant 0 : i32
      %scatter3A_107 = tpu.memref_slice %arg5[%rem3A_68, %scatter3A_105, %scatter3A_106] : memref<2x2x26000xf32, #tpu.memory_space<vmem>> -> memref<1x2x26000xf32, #tpu.memory_space<vmem>>
      %scatter3A_108 = tpu.memref_squeeze %scatter3A_107 : memref<1x2x26000xf32, #tpu.memory_space<vmem>> -> memref<2x26000xf32, #tpu.memory_space<vmem>>
      tpu.vector_store_idx %scatter3A_108[%broadcast_in_dim3A_9, %add3A_89], %broadcast_in_dim3A_5 : memref<2x26000xf32, #tpu.memory_space<vmem>>[vector<16xi32>, vector<16xi32>], vector<16xf32>,
      %scatter3A_109 = arith.constant 0 : i32
      %scatter3A_110 = arith.constant 0 : i32
      %scatter3A_111 = tpu.memref_slice %arg5[%rem3A_68, %scatter3A_109, %scatter3A_110] : memref<2x2x26000xf32, #tpu.memory_space<vmem>> -> memref<1x2x26000xf32, #tpu.memory_space<vmem>>
      %scatter3A_112 = tpu.memref_squeeze %scatter3A_111 : memref<1x2x26000xf32, #tpu.memory_space<vmem>> -> memref<2x26000xf32, #tpu.memory_space<vmem>>
      tpu.vector_store_idx %scatter3A_112[%broadcast_in_dim3A_9, %add3A_97], %broadcast_in_dim3A_5 masked %lt3A_25 : memref<2x26000xf32, #tpu.memory_space<vmem>>[vector<16xi32>, vector<16xi32>], vector<16xf32>, vector<16xi1>
      %mul3A_113 = arith.constant 2 : i32
      %mul3A_114 = arith.muli %mul3A_113, %scan3A_67 : i32
      %add3A_115 = arith.addi %mul3A_2, %mul3A_114 : i32
      %dma_start3A = arith.constant 0 : i32
      %dma_start3A_116 = arith.constant 0 : i32
      %dma_start3A_117 = tpu.memref_slice %arg5[%rem3A_68, %dma_start3A, %dma_start3A_116] : memref<2x2x26000xf32, #tpu.memory_space<vmem>> -> memref<1x2x26000xf32, #tpu.memory_space<vmem>>
      %dma_start3A_118 = tpu.memref_squeeze %dma_start3A_117 : memref<1x2x26000xf32, #tpu.memory_space<vmem>> -> memref<2x26000xf32, #tpu.memory_space<vmem>>
      %dma_start3A_119 = arith.constant 0 : i32
      %dma_start3A_120 = tpu.memref_slice %arg3[%add3A_115, %dma_start3A_119] : memref<4096x26000xf32, #tpu.memory_space<hbm>> -> memref<2x26000xf32, #tpu.memory_space<hbm>>
      %dma_start3A_121 = tpu.memref_slice %arg6[%rem3A_68] : memref<2x!tpu.dma_semaphore, #tpu.memory_space<semaphore_mem>> -> memref<1x!tpu.dma_semaphore, #tpu.memory_space<semaphore_mem>>
      %dma_start3A_122 = tpu.memref_squeeze %dma_start3A_121 : memref<1x!tpu.dma_semaphore, #tpu.memory_space<semaphore_mem>> -> memref<!tpu.dma_semaphore, #tpu.memory_space<semaphore_mem>>
      %dma_start3A_123 = arith.constant 0 : i32
      %dma_start3A_124 = tpu.memref_slice %arg3[%add3A_115, %dma_start3A_123] : memref<4096x26000xf32, #tpu.memory_space<hbm>> -> memref<2x26000xf32, #tpu.memory_space<hbm>>
      %dma_start3A_125 = arith.constant 0 : i32
      %dma_start3A_126 = arith.constant 0 : i32
      %dma_start3A_127 = tpu.memref_slice %arg5[%rem3A_68, %dma_start3A_125, %dma_start3A_126] : memref<2x2x26000xf32, #tpu.memory_space<vmem>> -> memref<1x2x26000xf32, #tpu.memory_space<vmem>>
      %dma_start3A_128 = tpu.memref_squeeze %dma_start3A_127 : memref<1x2x26000xf32, #tpu.memory_space<vmem>> -> memref<2x26000xf32, #tpu.memory_space<vmem>>
      tpu.enqueue_dma source(%dma_start3A_128 : memref<2x26000xf32, #tpu.memory_space<vmem>>) target(%dma_start3A_124 : memref<2x26000xf32, #tpu.memory_space<hbm>>) target_semaphore(%dma_start3A_122 : memref<!tpu.dma_semaphore, #tpu.memory_space<semaphore_mem>>)
    }
    %scan3A_31 = arith.constant 64 : i32
    %add3A_32 = arith.constant 124 : i32
    %add3A_33 = arith.addi %mul3A_2, %add3A_32 : i32
    %dma_wait3A = arith.constant 0 : i32
    %dma_wait3A_34 = arith.constant 0 : i32
    %dma_wait3A_35 = arith.constant 0 : i32
    %dma_wait3A_36 = arith.constant 0 : i32
    %dma_wait3A_37 = tpu.memref_slice %arg5[%dma_wait3A, %dma_wait3A_35, %dma_wait3A_36] : memref<2x2x26000xf32, #tpu.memory_space<vmem>> -> memref<1x2x26000xf32, #tpu.memory_space<vmem>>
    %dma_wait3A_38 = tpu.memref_squeeze %dma_wait3A_37 : memref<1x2x26000xf32, #tpu.memory_space<vmem>> -> memref<2x26000xf32, #tpu.memory_space<vmem>>
    %dma_wait3A_39 = arith.constant 0 : i32
    %dma_wait3A_40 = tpu.memref_slice %arg3[%add3A_33, %dma_wait3A_39] : memref<4096x26000xf32, #tpu.memory_space<hbm>> -> memref<2x26000xf32, #tpu.memory_space<hbm>>
    %dma_wait3A_41 = tpu.memref_slice %arg6[%dma_wait3A_34] : memref<2x!tpu.dma_semaphore, #tpu.memory_space<semaphore_mem>> -> memref<1x!tpu.dma_semaphore, #tpu.memory_space<semaphore_mem>>
    %dma_wait3A_42 = tpu.memref_squeeze %dma_wait3A_41 : memref<1x!tpu.dma_semaphore, #tpu.memory_space<semaphore_mem>> -> memref<!tpu.dma_semaphore, #tpu.memory_space<semaphore_mem>>
    %dma_wait3A_43 = arith.constant 0 : i32
    %dma_wait3A_44 = tpu.memref_slice %arg3[%add3A_33, %dma_wait3A_43] : memref<4096x26000xf32, #tpu.memory_space<hbm>> -> memref<2x26000xf32, #tpu.memory_space<hbm>>
    %dma_wait3A_45 = arith.constant 0 : i32
    %dma_wait3A_46 = arith.constant 0 : i32
    %dma_wait3A_47 = tpu.memref_slice %arg5[%dma_wait3A, %dma_wait3A_45, %dma_wait3A_46] : memref<2x2x26000xf32, #tpu.memory_space<vmem>> -> memref<1x2x26000xf32, #tpu.memory_space<vmem>>
    %dma_wait3A_48 = tpu.memref_squeeze %dma_wait3A_47 : memref<1x2x26000xf32, #tpu.memory_space<vmem>> -> memref<2x26000xf32, #tpu.memory_space<vmem>>
    tpu.wait_dma2 semaphore(%dma_wait3A_42 : memref<!tpu.dma_semaphore, #tpu.memory_space<semaphore_mem>>) src(%dma_wait3A_48 : memref<2x26000xf32, #tpu.memory_space<vmem>>) dst(%dma_wait3A_44 : memref<2x26000xf32, #tpu.memory_space<hbm>>)
    %add3A_49 = arith.constant 126 : i32
    %add3A_50 = arith.addi %mul3A_2, %add3A_49 : i32
    %dma_wait3A_51 = arith.constant 1 : i32
    %dma_wait3A_52 = arith.constant 1 : i32
    %dma_wait3A_53 = arith.constant 0 : i32
    %dma_wait3A_54 = arith.constant 0 : i32
    %dma_wait3A_55 = tpu.memref_slice %arg5[%dma_wait3A_51, %dma_wait3A_53, %dma_wait3A_54] : memref<2x2x26000xf32, #tpu.memory_space<vmem>> -> memref<1x2x26000xf32, #tpu.memory_space<vmem>>
    %dma_wait3A_56 = tpu.memref_squeeze %dma_wait3A_55 : memref<1x2x26000xf32, #tpu.memory_space<vmem>> -> memref<2x26000xf32, #tpu.memory_space<vmem>>
    %dma_wait3A_57 = arith.constant 0 : i32
    %dma_wait3A_58 = tpu.memref_slice %arg3[%add3A_50, %dma_wait3A_57] : memref<4096x26000xf32, #tpu.memory_space<hbm>> -> memref<2x26000xf32, #tpu.memory_space<hbm>>
    %dma_wait3A_59 = tpu.memref_slice %arg6[%dma_wait3A_52] : memref<2x!tpu.dma_semaphore, #tpu.memory_space<semaphore_mem>> -> memref<1x!tpu.dma_semaphore, #tpu.memory_space<semaphore_mem>>
    %dma_wait3A_60 = tpu.memref_squeeze %dma_wait3A_59 : memref<1x!tpu.dma_semaphore, #tpu.memory_space<semaphore_mem>> -> memref<!tpu.dma_semaphore, #tpu.memory_space<semaphore_mem>>
    %dma_wait3A_61 = arith.constant 0 : i32
    %dma_wait3A_62 = tpu.memref_slice %arg3[%add3A_50, %dma_wait3A_61] : memref<4096x26000xf32, #tpu.memory_space<hbm>> -> memref<2x26000xf32, #tpu.memory_space<hbm>>
    %dma_wait3A_63 = arith.constant 0 : i32
    %dma_wait3A_64 = arith.constant 0 : i32
    %dma_wait3A_65 = tpu.memref_slice %arg5[%dma_wait3A_51, %dma_wait3A_63, %dma_wait3A_64] : memref<2x2x26000xf32, #tpu.memory_space<vmem>> -> memref<1x2x26000xf32, #tpu.memory_space<vmem>>
    %dma_wait3A_66 = tpu.memref_squeeze %dma_wait3A_65 : memref<1x2x26000xf32, #tpu.memory_space<vmem>> -> memref<2x26000xf32, #tpu.memory_space<vmem>>
    tpu.wait_dma2 semaphore(%dma_wait3A_60 : memref<!tpu.dma_semaphore, #tpu.memory_space<semaphore_mem>>) src(%dma_wait3A_66 : memref<2x26000xf32, #tpu.memory_space<vmem>>) dst(%dma_wait3A_62 : memref<2x26000xf32, #tpu.memory_space<hbm>>)
    return
  }
}

</mosaic_0001>

<sc_bundles>
// kernel: kernel.3.cloned.1.call-start
scs
__scs_entry_jumppad:
0x0: {  	(pc) =	sbr.rel $0x88, $3  }
0x1: {  	(tag) =	ssettag $0x0;
	lr =	simm.s32 $0x1  }
0x2: {  	[smem:$0x3FA0] =	sst lr;
	_ =	strace $0xD0000000  }
0x3: {  	_ = 	snop  }
0x4: {  	_ = 	snop  }
0x5: {  	_ = 	snop  }
0x6: {  	_ = 	snop  }
0x7: {  	_ = 	snop  }
__scs_overlays_trampoline_lowered:
0x8: {  	[smem:$0x3FAF] =	sst s0  }
0x9: {  	[smem:$0x3FB0] =	sst s1  }
0xa: {  	[smem:$0x3FB1] =	sst s2  }
0xb: {  	[smem:$0x3FB2] =	sst s3  }
0xc: {  	[smem:$0x3FB3] =	sst s4  }
0xd: {  	[smem:$0x3FB4] =	sst s5  }
0xe: {  	[smem:$0x3FB5] =	sst s6  }
0xf: {  	[smem:$0x3FB6] =	sst s7  }
0x10: {  	[smem:$0x3FB7] =	sst s8  }
0x11: {  	[smem:$0x3FB8] =	sst s9;
	s0 =	simm.s32 @!p0 $0x0  }
0x12: {  	s1 =	sld [smem:$0x3F9E];
	s0 =	simm.s32 @p0 $0x1  }
0x13: {  	[smem:$0x3FB9] =	sst s0;
	s0 =	simm.s32 @!p1 $0x0  }
0x14: {  	s2 =	sld [smem:$0x3F9D];
	s0 =	simm.s32 @p1 $0x1  }
0x15: {  	[smem:$0x3FBA] =	sst s0;
	s0 =	simm.s32 @!p2 $0x0  }
0x16: {  	s3 =	sld [smem:$0x3FDB];
	s0 =	simm.s32 @p2 $0x1  }
0x17: {  	s4 =	simm.s32 $0x1BF5;
	[smem:$0x3FBC] =	sst s0  }
0x18: {  	s0 =	sld [smem:$0x3F9F];
	_ =	swait.ge [sflag:s4], $0x0  }
0x19: {  	s7 =	sld [smem:$0x3FA0]  }
0x1a: {  	s8 =	sadd.s32 $0xFFFFE003, lr  }
0x1b: {  	s9 =	sadd.s32 $0xFFFFFEF7, lr;
	s5 =	simm.s32 $0xFFFFFFFF;
	p2 =	slt.u32 s8, $0xFFFFF086  }
0x1c: {  	p1 =	slt.u32 s9, $0xF7A;
	s5 =	simm.s32 @!p2 $0x0  }
0x1d: {  	s5 =	simm.s32 @p1 $0x1;
	p0 =	seq.s32 s7, s2  }
0x1e: {  	s7 =	smul.u32 @!p0 $0xF7A, s2;
	p2 =	seq.s32 @!p0 s5, $0x0  }
0x1f: {  	s9 =	smul.u32 $0xF7A, s1;
	s8 =	simm.s32 @!p0 $0x1BF5;
	p2 =	por !p2, p0  }
0x20: {  	[sflag:s8] =	ssyncset.s32 @!p0 $0xFFFFF086;
	s6 =	sadd.s32 @!p0 s3, s7;
	s7 =	simm.s32 @!p0 $0x108  }
0x21: {  	s3 =	sadd.s32 s3, s9;
	s6 =	sadd.s32 @!p0 $0x88, s6;
	s7 =	simm.s32 @p2 $0x1082  }
0x22: {  	[simem:s7], [sflag:s8] =	dma.local @!p0 [hbm:s6], $0xF7A  }
0x23: {  	s9 =	sor.u32 $0xD0000000, s2;
	s6 =	simm.s32 $0x108;
	_ =	swait.ge @!p0 [sflag:s8], $0x0  }
0x24: {  	s3 =	sadd.s32 $0x88, s3;
	s6 =	simm.s32 @!p1 $0x1082;
	[sflag:s4] =	ssyncset.s32 $0xFFFFF086  }
0x25: {  	[simem:s6], [sflag:s4] =	dma.local [hbm:s3], $0xF7A  }
0x26: {  	[smem:$0x3FA0] =	sst s1;
	(tag) =	ssettag s2;
	_ =	strace s9  }
0x27: {  	s1 =	sld [smem:$0x3FB0]  }
0x28: {  	s2 =	sld [smem:$0x3FB1]  }
0x29: {  	s4 =	sld [smem:$0x3FB3]  }
0x2a: {  	p0 =	seq.s32 s5, $0x0;
	s5 =	sld [smem:$0x3FB4]  }
0x2b: {  	s6 =	sld [smem:$0x3FB5]  }
0x2c: {  	s7 =	sld [smem:$0x3FB6]  }
0x2d: {  	s3 =	simm.s32 $0x108;
	s8 =	sld [smem:$0x3FB7]  }
0x2e: {  	s3 =	simm.s32 @!p0 $0x1082;
	s9 =	sld [smem:$0x3FB8]  }
0x2f: {  	lr =	sadd.s32 s0, s3;
	s0 =	sld [smem:$0x3FAF]  }
0x30: {  	s3 =	sld [smem:$0x3FB2]  }
0x31: {  	[smem:$0x3FBB] =	sst s10  }
0x32: {  	s10 =	sld [smem:$0x3FB9];
	_ =	sdelay $0x3  }
0x33: {  	p0 =	seq.s32 s10, $0x1;
	s10 =	sld [smem:$0x3FBB];
	_ =	sdelay $0x3  }
0x34: {  	[smem:$0x3FBB] =	sst s10  }
0x35: {  	s10 =	sld [smem:$0x3FBA];
	_ =	sdelay $0x3  }
0x36: {  	p1 =	seq.s32 s10, $0x1;
	s10 =	sld [smem:$0x3FBB];
	_ =	sdelay $0x3  }
0x37: {  	[smem:$0x3FBB] =	sst s10  }
0x38: {  	s10 =	sld [smem:$0x3FBC]  }
0x39: {  	_ = 	snop;
	(pc) =	sbr.ind lr, $3  }
0x3a: {  	_ = 	snop  }
0x3b: {  	_ = 	snop  }
0x3c: {  	p2 =	seq.s32 s10, $0x1;
	s10 =	sld [smem:$0x3FBB]  }
0x3d: {  	_ =	shalt  }
0x3e: {  	_ =	shalt  }
0x3f: {  	_ =	shalt  }
0x40: {  	_ =	shalt  }
0x41: {  	_ =	shalt  }
0x42: {  	_ =	shalt  }
0x43: {  	_ =	shalt  }
0x44: {  	_ =	shalt  }
0x45: {  	_ =	shalt  }
0x46: {  	_ =	shalt  }
0x47: {  	_ =	shalt  }
0x48: {  	_ =	shalt  }
0x49: {  	_ =	shalt  }
0x4a: {  	_ =	shalt  }
0x4b: {  	_ =	shalt  }
0x4c: {  	_ =	shalt  }
0x4d: {  	_ =	shalt  }
0x4e: {  	_ =	shalt  }
0x4f: {  	_ =	shalt  }
0x50: {  	_ =	shalt  }
0x51: {  	_ =	shalt  }
0x52: {  	_ =	shalt  }
0x53: {  	_ =	shalt  }
0x54: {  	_ =	shalt  }
0x55: {  	_ =	shalt  }
0x56: {  	_ =	shalt  }
0x57: {  	_ =	shalt  }
0x58: {  	_ =	shalt  }
0x59: {  	_ =	shalt  }
0x5a: {  	_ =	shalt  }
0x5b: {  	_ =	shalt  }
0x5c: {  	_ =	shalt  }
0x5d: {  	_ =	shalt  }
0x5e: {  	_ =	shalt  }
0x5f: {  	_ =	shalt  }
0x60: {  	_ =	shalt  }
0x61: {  	_ =	shalt  }
0x62: {  	_ =	shalt  }
0x63: {  	_ =	shalt  }
0x64: {  	_ =	shalt  }
0x65: {  	_ =	shalt  }
0x66: {  	_ =	shalt  }
0x67: {  	_ =	shalt  }
0x68: {  	_ =	shalt  }
0x69: {  	_ =	shalt  }
0x6a: {  	_ =	shalt  }
0x6b: {  	_ =	shalt  }
0x6c: {  	_ =	shalt  }
0x6d: {  	_ =	shalt  }
0x6e: {  	_ =	shalt  }
0x6f: {  	_ =	shalt  }
0x70: {  	_ =	shalt  }
0x71: {  	_ =	shalt  }
0x72: {  	_ =	shalt  }
0x73: {  	_ =	shalt  }
0x74: {  	_ =	shalt  }
0x75: {  	_ =	shalt  }
0x76: {  	_ =	shalt  }
0x77: {  	_ =	shalt  }
0x78: {  	_ =	shalt  }
0x79: {  	_ =	shalt  }
0x7a: {  	_ =	shalt  }
0x7b: {  	_ =	shalt  }
0x7c: {  	_ =	shalt  }
0x7d: {  	_ =	shalt  }
0x7e: {  	_ =	shalt  }
0x7f: {  	_ =	shalt  }
0x80: {  	_ =	shalt  }
0x81: {  	_ =	shalt  }
0x82: {  	_ =	shalt  }
0x83: {  	_ =	shalt  }
0x84: {  	_ =	shalt  }
0x85: {  	_ =	shalt  }
0x86: {  	_ =	shalt  }
0x87: {  	_ =	shalt  }
.Lfunc_end0:
.L_simem_size_0:
called_computation_lowered:
.L_overlay_start_0:
0x88: {  	s2 =	sld [smem:$0x3FD9]  }
0x89: {  	s3 =	sld [smem:$0x3FFE];
	_ =	sdelay $0x1  }
0x8a: {  	s1 =	srdreg.scid  }
0x8b: {  	s0 =	sand.u32 $0x1, s1  }
0x8c: {  	s17 =	sshll.u32 s0, $0xA;
	s2 =	sadd.s32 s3, s2  }
0x8d: {  	s2 =	sadd.s32 s2, s17  }
0x8e: {  	[smem:$0x3FC7] =	sst s2  }
0x8f: {  	_ = 	snop  }
0x90: {  	s2 =	sld [smem:$0x3FD0];
	(tm) =	ssettm $0x1  }
0x91: {  	s18 =	sld [smem:$0x3FFB];
	_ =	sdelay $0x3  }
0x92: {  	_ =	strace s18  }
0x93: {  	s3 =	sld [smem:$0x3FFC];
	_ =	sdelay $0x3  }
0x94: {  	_ =	strace s3  }
0x95: {  	s3 =	sld [smem:$0x3FFD];
	_ =	sdelay $0x3  }
0x96: {  	_ =	strace s3  }
0x97: {  	_ =	strace $0x8FFFFFFF  }
0x98: {  	s19 =	sld [smem:$0x3FDB];
	_ =	sdelay $0x1  }
0x99: {  	s4 =	simm.s32 $_scs_section_size  }
0x9a: {  	s5 =	simm.s32 $_size__tile_overlayer_lowered;
	s6 =	simm.s32 $_tile_overlayer_lowered  }
0x9b: {  	s22 =	simm.s32 $0x1BFF;
	s21 =	sshll.u32 s6, $0x1;
	s3 =	sadd.s32 s4, s19  }
0x9c: {  	s7 =	simm.s32 $0x0;
	s20 =	sshll.u32 s5, $0x1;
	s5 =	sadd.s32 s21, s3  }
0x9d: {  	[timem:s7], [sflag:s22] =	dma.local [hbm:s5], s20  }
0x9e: {  	_ =	swait.ge [sflag:s22], s20  }
0x9f: {  	s4 =	ssub.s32 $0x0, s20;
	[sflag:s22] =	ssyncset.done $0x0  }
0xa0: {  	[sflag:s22] =	ssyncadd.s32 s4;
	_ =	sdelay $0x1  }
0xa1: {  	s23 =	simm.s32 $0x1B8B  }
0xa2: {  	_ =	swait.ge [sflag:s23], $0x1  }
0xa3: {  	[sflag:s23] =	ssyncset.done $0x0  }
0xa4: {  	s25 =	simm.s32 $0x1B8E;
	s24 =	sld [smem:$0x3FFE];
	[sflag:s23] =	ssyncadd.s32 $0xFFFFFFFF  }
0xa5: {  	s26 =	simm.s32 $execute0_lowered;
	[smem:$0x3FD2] =	sst s25  }
0xa6: {  	s5 =	sshll.u32 s26, $0x1;
	_ =	strace $0x80000046;
	[dreg:$0x1] =	wrdreg $0xFFFFFFFF  }
0xa7: {  	s28 =	simm.s32 $_size_execute0_lowered;
	s3 =	sadd.s32 s3, s5;
	[dreg:$0x0] =	wrdreg $0x0  }
0xa8: {  	s5 =	sshll.u32 s28, $0x1;
	[dreg:$0x2] =	wrdreg s3  }
0xa9: {  	[dreg:$0x3] =	wrdreg s5  }
0xaa: {  	[dreg:$0x4] =	wrdreg $0xC0  }
0xab: {  	_ =	task [dreg:s7], $0x5FFFF  }
0xac: {  	[dreg:$0x1] =	wrdreg $0xFFFFFFFF  }
0xad: {  	[dreg:$0x0] =	wrdreg $0x60  }
0xae: {  	[dreg:$0x2] =	wrdreg s2  }
0xaf: {  	[dreg:$0x3] =	wrdreg s24  }
0xb0: {  	[dreg:$0x4] =	wrdreg $0x9  }
0xb1: {  	_ =	task.clear_ibuf [dreg:s7], $0x5FFFF;
	_ =	strace $0x90000046  }
0xb2: {  	s29 =	simm.s32 $0x9;
	_ =	strace $0x80000048  }
0xb3: {  	_ =	swait.ge [sflag:s29], $0x1  }
0xb4: {  	[sflag:s29] =	ssyncadd.s32 $0xFFFFFFFF  }
0xb5: {  	_ =	strace $0x90000048  }
0xb6: {  	_ =	sfence  }
0xb7: {  	s30 =	sld [smem:$0x0];
	_ =	sdelay $0x2  }
0xb8: {  	s31 =	sshll.u32 s1, $0xD;
	s1 =	sshrl.u32 s1, $0x2  }
0xb9: {  	s3 =	sand.u32 $0x4000, s31;
	s1 =	sadd.s32 s1, s30  }
0xba: {  	s0 =	sor.u32 s3, s0;
	s1 =	sshll.u32 s1, $0x11  }
0xbb: {  	s0 =	sor.u32 s1, s0  }
0xbc: {  	s0 =	sadd.s32 $0x8F2B, s0  }
0xbd: {  	[sflag:s0] =	ssyncadd.remote.s32 $0x1  }
0xbe: {  	_ =	sfence.sel $0xFFFF  }
0xbf: {  	[dreg:$0x0] =	wrdreg $0xFFFFFFFF;
	(pc) =	sbr.abs _section_cstart, $3  }
0xc0: {  	[dreg:$0x1] =	wrdreg $0xFFFFFFFF  }
0xc1: {  	_ =	task.clear_ibuf [dreg:s7], $0x2FFFF;
	_ =	strace $0x9FFFFFFF  }
0xc2: {  	(tm) =	ssettm $0x7FFFFFFF  }
0xc3: {  	_ =	shalt  }
tec
execute0_lowered:
.L_overlay_start_1:
0x0: {  	(tag) =	ssettag $0x1  }
0x1: {  	s5 =	rddreg [dreg:$0x0]  }
0x2: {  	s4 =	rddreg [dreg:$0x1]  }
0x3: {  	s0 =	rddreg [dreg:$0x2];
	s3 =	srdreg.scid  }
0x4: {  	s2 =	simm.s32 $0x0;
	s1 =	stileid.u32;
	s9 =	simm.s32 $0x400  }
0x5: {  	s10 =	simm.s32 $0x1;
	s11 =	simm.s32 $0x2;
	s12 =	simm.s32 $0x0  }
0x6: {  	s3 =	sand.u32 $0x1, s3;
	s7 =	sshll.u32 s1, $0x8;
	[smem:$0x7FF] =	sst s2  }
0x7: {  	v0 =	vlaneseq.u32;
	s4 =	sadd.s32 $0x400, s4;
	s6 =	ssub.s32 $0x2, s3;
	s3 =	sshll.u32 s3, $0x7  }
0x8: {  	v0 =	vmul.u32 $0x3E8, v0;
	_ =	strace $0x80000047;
	s8 =	sshrl.u32 s6, $0x1;
	s3 =	sor.u32 s3, s7  }
0x9: {  	s6 =	ssub.s32 s6, s8;
	s7 =	sshll.u32 s3, $0x4;
	s8 =	simm.s32 $0x100  }
0xa: {  	v1 =	vimm.f32 $0.0e+00;
	v3 =	vimm.f32 $1.000000000e+00;
	v2 =	vadd.s32 $0x3E80, v0;
	s5 =	sadd.s32 s5, s7;
	s6 =	smax.u32 s6, $0x1;
	s7 =	simm.s32 $0x3  }
.LBB2_1:
0xb: {  	[tilespmem:s2], [sflag:$0x3] =	stream.linear.gather [hbm4b:s5+s2], $0x4000, $0x38;
	[tilespmem:$0x1D800] =	vst v63  }
0xc: {  	_ =	swait.ge [sflag:s7], $0x4000  }
0xd: {  	s13 =	sand.u32 $0x70, s2;
	s14 =	sand.u32 $0xFF00, s2;
	[sflag:s7] =	ssyncset.done $0x0  }
0xe: {  	s14 =	sor.u32 s13, s14;
	[sflag:s7] =	ssyncadd.s32 $0xFFFFC000  }
0xf: {  	[tilespmem:s14+$0x10C80] =	vst v1  }
0x10: {  	[tilespmem:s14+$0x4000] =	vst v1  }
0x11: {  	s15 =	simm.s32 $0x0;
	s13 =	simm.s32 $0x10;
	[tilespmem:s14+$0x4080] =	vst v1  }
.LBB2_2:
0x12: {  	s16 =	sand.u32 $0x70, s13;
	[tilespmem:s14+$0x10C00] =	vst v1;
	s15 =	sadd.s32 $0x20, s15;
	p0 =	sne.s32 s13, $0x6580  }
.Ltmp0:
0x13: {  	s13 =	sadd.s32 $0x10, s13;
	s14 =	sand.u32 $0xFF00, s15;
	(pc) =	sbr.rel @p0 .LBB2_2-.Ltmp0, $4  }
0x14: {  	s14 =	sor.u32 s16, s14  }
0x15: {  	[tilespmem:s14+$0x10C80] =	vst v1  }
0x16: {  	[tilespmem:s14+$0x4000] =	vst v1  }
0x17: {  	[tilespmem:s14+$0x4080] =	vst v1  }
0x18: {  	s19 =	simm.s32 $0x0  }
0x19: {  	p1 =	por $0x0, $0x0;
	s17 =	sand.u32 $0x1, s19  }
0x1a: {  	s20 =	simm.s32 $0x1;
	s21 =	sadd.s32 $0x2, s3;
	s18 =	smul.u32 @p1 $0x33000, s17  }
0x1b: {  	s22 =	simm.s32 $0x100;
	s16 =	simm.s32 $0x0;
	s13 =	smul.u32 @!p1 $0x33000, s17  }
0x1c: {  	[tilespmem:s14+$0x10C00] =	vst v1;
	s15 =	smov.u32 s3;
	p0 =	por p1, p1;
	s24 =	sadd.s32 @p1 $0x1, s17  }
0x1d: {  	s14 =	simm.s32 $0x0;
	v4 =	vlaneseq.u32 @p1;
	_ =	swait.ge @p0 [sflag:s24], $0xCC00;
	s13 =	smov.u32 @p0 s18  }
.LBB2_4:
0x1e: {  	[sflag:s24] =	ssyncset.done @p0 $0x0;
	s19 =	sadd.s32 $0x100, s19  }
0x1f: {  	s25 =	smov.u32 s20;
	s20 =	sadd.s32 $0x1, s20;
	s23 =	smov.u32 s17  }
0x20: {  	p1 =	sne.s32 s20, $0x40;
	[sflag:s24] =	ssyncadd.s32 @p0 $0xFFFF3400  }
0x21: {  	v5 =	vld @p0 [tilespmem:s16+$0xFFFFFE90]  }
0x22: {  	v6 =	vld @p0 [tilespmem:s16+$0xFFFFFE80]  }
0x23: {  	v4 =	vmul.u32 @p0 $0x3E8, v4;
	v7 =	vld @p0 [tilespmem:s16+$0xFFFFFE00]  }
0x24: {  	v8 =	vld @p0 [tilespmem:s16+$0xFFFFFE10]  }
0x25: {  	v9 =	vadd.s32 @p0 $0x3E80, v4  }
0x26: {  	v5 =	vadd.s32 @p0 v9, v5  }
0x27: {  	v6 =	vadd.s32 @p0 v4, v6;
	v10 =	vand.u32 @p0 $0x7F, v5;
	v5 =	vshll.u32 @p0 v5, $0x1  }
0x28: {  	v4 =	vadd.s32 @p0 v4, v7;
	v7 =	vand.u32 @p0 $0x7F, v6;
	v6 =	vshll.u32 @p0 v6, $0x1  }
0x29: {  	v8 =	vadd.s32 @p0 v9, v8;
	v9 =	vand.u32 @p0 $0x7F, v4;
	v4 =	vshll.u32 @p0 v4, $0x1  }
0x2a: {  	v6 =	vand.u32 @p0 $0xFFFFFF00, v6;
	v4 =	vand.u32 @p0 $0xFFFFFF00, v4;
	v11 =	vshll.u32 @p0 v8, $0x1  }
0x2b: {  	v8 =	vand.u32 @p0 $0x7F, v8;
	v4 =	vor.u32 @p0 v9, v4;
	v9 =	vand.u32 @p0 $0xFFFFFF00, v11  }
0x2c: {  	v5 =	vand.u32 @p0 $0xFFFFFF00, v5;
	v6 =	vor.u32 @p0 v6, v7;
	v8 =	vor.u32 @p0 v8, v9  }
0x2d: {  	v5 =	vor.u32 @p0 v5, v10;
	v6 =	vor.u32 @p0 $0x80, v6  }
0x2e: {  	v5 =	vor.u32 @p0 $0x80, v5  }
0x2f: {  	s26 =	sshrl.u32 @p0 s18, $0x2;
	v7 =	vimm.f32 @p0 $0.0e+00  }
0x30: {  	s17 =	sand.u32 $0x1, s25;
	p2 =	sgt.u32 s25, $0x1;
	[tilespmem:v4+s26+$0x4000] =	vst.idx.msk @p0 $0xffff, v7  }
0x31: {  	s24 =	sadd.s32 @p2 $0x1, s17;
	s18 =	smul.u32 @p2 $0x33000, s17;
	v4 =	vlaneseq.u32 @p2;
	[tilespmem:v8+s26+$0x4000] =	vst.idx.msk @p0 $0x3ff, v7  }
0x32: {  	s25 =	smul.u32 @!p2 $0x33000, s17;
	[tilespmem:v6+s26+$0x4000] =	vst.idx.msk @p0 $0xffff, v7  }
0x33: {  	[tilespmem:v5+s26+$0x4000] =	vst.idx.msk @p0 $0x3ff, v7;
	p0 =	por p2, p2  }
0x34: {  	s25 =	smov.u32 @p0 s18;
	v5 =	vld [tilespmem:s16+$0x0]  }
0x35: {  	v6 =	vld [tilespmem:s16+$0x10]  }
0x36: {  	v7 =	vld [tilespmem:s16+$0x80]  }
0x37: {  	v8 =	vld [tilespmem:s16+$0x90];
	s16 =	smov.u32 s22;
	_ =	sdelay $0x1  }
0x38: {  	v5 =	vadd.s32 v0, v5  }
0x39: {  	v6 =	vadd.s32 v2, v6;
	v9 =	vand.u32 $0x7F, v5;
	v5 =	vshll.u32 v5, $0x1  }
0x3a: {  	v7 =	vadd.s32 v0, v7;
	v5 =	vand.u32 $0xFFFFFF00, v5;
	v10 =	vand.u32 $0x7F, v6  }
0x3b: {  	v6 =	vshll.u32 v6, $0x1;
	v5 =	vor.u32 v9, v5;
	v9 =	vand.u32 $0x7F, v7  }
0x3c: {  	v8 =	vadd.s32 v2, v8;
	v6 =	vand.u32 $0xFFFFFF00, v6;
	v7 =	vshll.u32 v7, $0x1  }
0x3d: {  	v6 =	vor.u32 v10, v6;
	v7 =	vand.u32 $0xFFFFFF00, v7;
	v10 =	vshll.u32 v8, $0x1  }
0x3e: {  	v8 =	vand.u32 $0x7F, v8;
	v7 =	vor.u32 v7, v9;
	v9 =	vand.u32 $0xFFFFFF00, v10  }
0x3f: {  	s26 =	sshrl.u32 s13, $0x2;
	s13 =	smov.u32 s25;
	v7 =	vor.u32 $0x80, v7;
	v8 =	vor.u32 v9, v8  }
0x40: {  	s25 =	sshrl.u32 s15, $0x3;
	s15 =	smov.u32 s21;
	[tilespmem:v5+s26+$0x4000] =	vst.idx.msk $0xffff, v3;
	v5 =	vor.u32 $0x80, v8  }
0x41: {  	s25 =	smul.u32 $0x33000, s25  }
0x42: {  	s28 =	sand.u32 $0x300, s14;
	s14 =	smov.u32 s19;
	[tilespmem:v6+s26+$0x4000] =	vst.idx.msk $0x3ff, v3  }
.Ltmp1:
0x43: {  	s25 =	sor.u32 s28, s25;
	(pc) =	sbr.rel @p1 .LBB2_4-.Ltmp1, $4  }
0x44: {  	s25 =	sshrl.u32 s25, $0x3;
	[tilespmem:v7+s26+$0x4000] =	vst.idx.msk $0xffff, v3  }
0x45: {  	s23 =	sadd.s32 $0x1, s23;
	s28 =	sadd.s32 $0x4000, s26;
	s25 =	sadd.s32 s4, s25;
	[tilespmem:v5+s26+$0x4000] =	vst.idx.msk $0x3ff, v3  }
0x46: {  	[hbm4b:s25+s8] =	stream.strided.scatter [tilespmem:s28], [sflag:s23], $0xCC00, s9, s8, $0x38;
	[tilespmem:$0x1D800] =	vst v63  }
0x47: {  	s21 =	sadd.s32 $0x2, s21;
	s22 =	sadd.s32 $0x100, s22;
	_ =	swait.ge @p0 [sflag:s24], $0xCC00  }
0x48: {  	[sflag:s24] =	ssyncset.done @p0 $0x0  }
0x49: {  	[sflag:s24] =	ssyncadd.s32 @p0 $0xFFFF3400  }
0x4a: {  	v5 =	vld @p0 [tilespmem:s16+$0xFFFFFE90]  }
0x4b: {  	v6 =	vld @p0 [tilespmem:s16+$0xFFFFFE80]  }
0x4c: {  	v7 =	vld @p0 [tilespmem:s16+$0xFFFFFE00]  }
0x4d: {  	v8 =	vld @p0 [tilespmem:s16+$0xFFFFFE10]  }
0x4e: {  	v4 =	vmul.u32 @p0 $0x3E8, v4;
	_ =	sdelay $0x1  }
0x4f: {  	v9 =	vadd.s32 @p0 $0x3E80, v4  }
0x50: {  	v5 =	vadd.s32 @p0 v9, v5  }
0x51: {  	v6 =	vadd.s32 @p0 v4, v6;
	v4 =	vadd.s32 @p0 v4, v7;
	v8 =	vadd.s32 @p0 v9, v8  }
0x52: {  	v10 =	vand.u32 @p0 $0x7F, v5;
	v5 =	vshll.u32 @p0 v5, $0x1;
	v7 =	vand.u32 @p0 $0x7F, v6  }
0x53: {  	v6 =	vshll.u32 @p0 v6, $0x1;
	v9 =	vand.u32 @p0 $0x7F, v4;
	v4 =	vshll.u32 @p0 v4, $0x1  }
0x54: {  	v11 =	vshll.u32 @p0 v8, $0x1;
	v8 =	vand.u32 @p0 $0x7F, v8;
	v4 =	vand.u32 @p0 $0xFFFFFF00, v4  }
0x55: {  	v6 =	vand.u32 @p0 $0xFFFFFF00, v6;
	v4 =	vor.u32 @p0 v9, v4;
	v9 =	vand.u32 @p0 $0xFFFFFF00, v11  }
0x56: {  	v5 =	vand.u32 @p0 $0xFFFFFF00, v5;
	v6 =	vor.u32 @p0 v6, v7;
	v8 =	vor.u32 @p0 v8, v9  }
0x57: {  	v5 =	vor.u32 @p0 v5, v10;
	v6 =	vor.u32 @p0 $0x80, v6  }
0x58: {  	v5 =	vor.u32 @p0 $0x80, v5  }
0x59: {  	s18 =	sshrl.u32 @p0 s18, $0x2;
	v7 =	vimm.f32 @p0 $0.0e+00  }
0x5a: {  	[tilespmem:v4+s18+$0x4000] =	vst.idx.msk @p0 $0xffff, v7  }
0x5b: {  	[tilespmem:v8+s18+$0x4000] =	vst.idx.msk @p0 $0x3ff, v7  }
0x5c: {  	[tilespmem:v6+s18+$0x4000] =	vst.idx.msk @p0 $0xffff, v7  }
0x5d: {  	[tilespmem:v5+s18+$0x4000] =	vst.idx.msk @p0 $0x3ff, v7  }
0x5e: {  	v4 =	vld [tilespmem:s16+$0x0]  }
0x5f: {  	v5 =	vld [tilespmem:s16+$0x10]  }
0x60: {  	v6 =	vld [tilespmem:s16+$0x80]  }
0x61: {  	v7 =	vld [tilespmem:s16+$0x90];
	_ =	sdelay $0x3  }
0x62: {  	v4 =	vadd.s32 v0, v4  }
0x63: {  	v5 =	vadd.s32 v2, v5;
	v6 =	vadd.s32 v0, v6;
	v7 =	vadd.s32 v2, v7  }
0x64: {  	v59 =	vand.u32 $0x7F, v4;
	v4 =	vshll.u32 v4, $0x1;
	v60 =	vand.u32 $0x7F, v5  }
0x65: {  	v5 =	vshll.u32 v5, $0x1;
	v61 =	vand.u32 $0x7F, v6;
	v6 =	vshll.u32 v6, $0x1  }
0x66: {  	v62 =	vshll.u32 v7, $0x1;
	v7 =	vand.u32 $0x7F, v7;
	v4 =	vand.u32 $0xFFFFFF00, v4  }
0x67: {  	v5 =	vand.u32 $0xFFFFFF00, v5;
	v6 =	vand.u32 $0xFFFFFF00, v6;
	v4 =	vor.u32 v59, v4  }
0x68: {  	v63 =	vand.u32 $0xFFFFFF00, v62;
	v5 =	vor.u32 v60, v5;
	v6 =	vor.u32 v6, v61  }
0x69: {  	v7 =	vor.u32 v63, v7;
	v6 =	vor.u32 $0x80, v6  }
0x6a: {  	s15 =	sshrl.u32 s15, $0x3;
	v7 =	vor.u32 $0x80, v7  }
0x6b: {  	s13 =	sshrl.u32 s13, $0x2;
	s15 =	smul.u32 $0x33000, s15  }
0x6c: {  	s14 =	sand.u32 $0x300, s14;
	[tilespmem:v4+s13+$0x4000] =	vst.idx.msk $0xffff, v3  }
0x6d: {  	s14 =	sor.u32 s14, s15;
	[tilespmem:v5+s13+$0x4000] =	vst.idx.msk $0x3ff, v3  }
0x6e: {  	s31 =	sadd.s32 $0x1, s17;
	s14 =	sshrl.u32 s14, $0x3;
	[tilespmem:v6+s13+$0x4000] =	vst.idx.msk $0xffff, v3  }
0x6f: {  	s12 =	sadd.s32 $0x1, s12;
	s30 =	sadd.s32 $0x4000, s13;
	s14 =	sadd.s32 s4, s14;
	[tilespmem:v7+s13+$0x4000] =	vst.idx.msk $0x3ff, v3  }
0x70: {  	[hbm4b:s14+s8] =	stream.strided.scatter [tilespmem:s30], [sflag:s31], $0xCC00, s9, s8, $0x38;
	[tilespmem:$0x1D800] =	vst v63  }
0x71: {  	p0 =	sne.s32 s12, s6;
	_ =	swait.ge [sflag:s10], $0xCC00  }
.Ltmp2:
0x72: {  	[sflag:s10] =	ssyncset.done $0x0;
	(pc) =	sbr.rel @p0 .LBB2_1-.Ltmp2, $4  }
0x73: {  	[sflag:s10] =	ssyncadd.s32 $0xFFFF3400  }
0x74: {  	_ =	swait.ge [sflag:s11], $0xCC00  }
0x75: {  	[sflag:s11] =	ssyncset.done $0x0  }
0x76: {  	[sflag:s11] =	ssyncadd.s32 $0xFFFF3400  }
0x77: {  	_ =	sfence.sel $0x180000  }
0x78: {  	[bflag:$0x0] =	sbarrier.arrive $0xFFFF  }
0x79: {  	p0 =	sne.s32 s1, $0x0;
	_ =	strace $0x90000047  }
0x7a: {  	s0 =	sadd.s32 @!p0 $0x100000, s0;
	[bflag:$0x2] =	sbarrier.arrive $0xFFFF  }
0x7b: {  	[sflag:s0] =	ssyncadd.tile.s32 @!p0 $0x1;
	_ =	shalt  }
.Lfunc_end2:
_tile_overlayer_lowered:
.L_overlay_start_2:
0x7c: {  	(tag) =	ssettag $0x2  }
0x7d: {  	s0 =	rddreg [dreg:$0x0];
	s2 =	stileid.u32  }
0x7e: {  	s1 =	rddreg [dreg:$0x1];
	p0 =	sne.s32 s2, $0x0  }
0x7f: {  	s3 =	rddreg [dreg:$0x2];
	[bflag:$0x3] =	sbarrier.arrive $0xFFFF;
	s2 =	simm.s32 @!p0 $0x1C03  }
0x80: {  	[timem:s3], [sflag:s2] =	dma.local @!p0 [hbm:s0], s1  }
0x81: {  	s0 =	simm.s32 @!p0 $0x3  }
0x82: {  	_ =	swait.ge @!p0 [sflag:s0], s1  }
0x83: {  	s1 =	ssub.s32 @!p0 $0x0, s1;
	[sflag:s0] =	ssyncset.done @!p0 $0x0  }
0x84: {  	[sflag:s0] =	ssyncadd.s32 @!p0 s1  }
0x85: {  	[bflag:$0x3] =	sbarrier.arrive $0xFFFF  }
0x86: {  	_ =	shalt  }

</sc_bundles>
